<compile_context>
chip_gen: v7x
topology: tpu7x:2x2x1
jax: 0.10.2.dev20260603
libtpu: 0.0.44.dev20260713+nightly
codegen_flags: <defaults>
</compile_context>

<pallas_src>
import functools

import jax
import jax.numpy as jnp
from jax import lax
from jax.experimental import pallas as pl
from jax.experimental.pallas import tpu as pltpu
from jax.experimental.pallas import tpu_sc as plsc

J, M, S, D = 1024, 128, 128, 128
_EPS = 1e-8

_NC, _NS = 2, 16
_NW = _NC * _NS
_JOB_PER_W = J // _NW
_NH = _NW // 2
_SM_PER_W = M // _NH


def _gather_body(jidx_hbm, midx_hbm, sidx_hbm, jtab_hbm, mtab_hbm, stab_hbm,
                 jout_hbm, mout_hbm, sout_hbm,
                 jidx_v, jrows_v, midx_v, mrows_v, sidx_v, srows_v,
                 sem_a, sem_b, sem_c):
    wid = lax.axis_index("s") * _NC + lax.axis_index("c")
    hid = lax.rem(wid, _NH)

    jb = pl.multiple_of(wid * _JOB_PER_W, 8)
    sb = pl.multiple_of(hid * _SM_PER_W, 8)

    c1 = pltpu.async_copy(jidx_hbm.at[pl.ds(jb, _JOB_PER_W)], jidx_v, sem_a)
    c2 = pltpu.async_copy(midx_hbm.at[pl.ds(sb, _SM_PER_W)], midx_v, sem_b)
    c3 = pltpu.async_copy(sidx_hbm.at[pl.ds(sb, _SM_PER_W)], sidx_v, sem_c)
    c2.wait()
    g2 = pltpu.async_copy(mtab_hbm.at[midx_v], mrows_v, sem_b)
    c3.wait()
    g3 = pltpu.async_copy(stab_hbm.at[sidx_v], srows_v, sem_c)
    c1.wait()
    g1 = pltpu.async_copy(jtab_hbm.at[jidx_v], jrows_v, sem_a)
    g2.wait()
    w2 = pltpu.async_copy(mrows_v, mout_hbm.at[pl.ds(sb, _SM_PER_W)], sem_b)
    g3.wait()
    w3 = pltpu.async_copy(srows_v, sout_hbm.at[pl.ds(sb, _SM_PER_W)], sem_c)
    g1.wait()
    w1 = pltpu.async_copy(jrows_v, jout_hbm.at[pl.ds(jb, _JOB_PER_W)], sem_a)
    w2.wait()
    w3.wait()
    w1.wait()


@functools.cache
def _gather_sc():
    return pl.kernel(
        _gather_body,
        mesh=plsc.VectorSubcoreMesh(core_axis_name="c", subcore_axis_name="s"),
        out_type=[
            jax.ShapeDtypeStruct((J, D), jnp.float32),
            jax.ShapeDtypeStruct((M, D), jnp.float32),
            jax.ShapeDtypeStruct((S, D), jnp.float32),
        ],
        scratch_types=[
            pltpu.VMEM((_JOB_PER_W,), jnp.int32),
            pltpu.VMEM((_JOB_PER_W, D), jnp.float32),
            pltpu.VMEM((_SM_PER_W,), jnp.int32),
            pltpu.VMEM((_SM_PER_W, D), jnp.float32),
            pltpu.VMEM((_SM_PER_W,), jnp.int32),
            pltpu.VMEM((_SM_PER_W, D), jnp.float32),
            pltpu.SemaphoreType.DMA,
            pltpu.SemaphoreType.DMA,
            pltpu.SemaphoreType.DMA,
        ],
    )


def _sim_body(jemb_ref, memb_ref, semb_ref, out_ref):
    je = jemb_ref[...]
    me = memb_ref[...]
    se = semb_ref[...]
    jn = jnp.sqrt(jnp.sum(je * je, axis=1))
    mn = jnp.sqrt(jnp.sum(me * me, axis=1))
    sn = jnp.sqrt(jnp.sum(se * se, axis=1))
    jm_dot = lax.dot_general(je, me, (((1,), (1,)), ((), ())),
                             preferred_element_type=jnp.float32)
    jm = jm_dot / jnp.maximum(jn[:, None] * mn[None, :], _EPS)
    ms_dot = lax.dot_general(me, se, (((1,), (1,)), ((), ())),
                             preferred_element_type=jnp.float32)
    ms = ms_dot / jnp.maximum(mn[:, None] * sn[None, :], _EPS)
    out_ref[...] = jm[:, :, None] * ms[None, :, :]


_JB = 128


def kernel(job_indices, major_indices, subject_indices,
           job_table, major_table, subject_table):
    jemb, memb, semb = _gather_sc()(
        job_indices.astype(jnp.int32), major_indices.astype(jnp.int32),
        subject_indices.astype(jnp.int32),
        job_table, major_table, subject_table)
    out = pl.pallas_call(
        _sim_body,
        grid=(J // _JB,),
        in_specs=[
            pl.BlockSpec((_JB, D), lambda i: (i, 0)),
            pl.BlockSpec((M, D), lambda i: (0, 0)),
            pl.BlockSpec((S, D), lambda i: (0, 0)),
        ],
        out_specs=pl.BlockSpec((_JB, M, S), lambda i: (i, 0, 0)),
        out_shape=jax.ShapeDtypeStruct((J, M, S), jnp.float32),
    )(jemb, memb, semb)
    return out.reshape(-1)

# --- scband reference (transcript-rebuilt; emitter-appended) ---
"""Pipeline reference for scband-recommendation-model-10892037063363 (READ-ONLY COPY).

The authoritative reference and input builder live on the scoring server;
editing this copy changes nothing except your own understanding.
"""

import jax, jax.numpy as jnp
import numpy as np

NUM_JOBS = 100000
NUM_MAJORS = 1000
NUM_SUBJECTS = 1000
EMBED_DIM = 128
J, M, S = 1024, 128, 128


def _pairwise_cosine(a, b, eps=1e-8):
    # torch F.cosine_similarity(a.unsqueeze(1), b.unsqueeze(0), dim=2)
    an = jnp.sqrt(jnp.sum(a * a, axis=-1))
    bn = jnp.sqrt(jnp.sum(b * b, axis=-1))
    dot = a @ b.T
    denom = jnp.maximum(an[:, None] * bn[None, :], eps)
    return dot / denom


def setup_inputs(seed: int = 0) -> dict:
    key = jax.random.key(seed)
    k1, k2, k3, k4, k5, k6 = jax.random.split(key, 6)
    job_indices = jax.random.randint(k1, (J,), 0, NUM_JOBS, dtype=jnp.int64 if jax.config.jax_enable_x64 else jnp.int32)
    major_indices = jax.random.randint(k2, (M,), 0, NUM_MAJORS, dtype=jnp.int64 if jax.config.jax_enable_x64 else jnp.int32)
    subject_indices = jax.random.randint(k3, (S,), 0, NUM_SUBJECTS, dtype=jnp.int64 if jax.config.jax_enable_x64 else jnp.int32)
    job_table = jax.random.normal(k4, (NUM_JOBS, EMBED_DIM), dtype=jnp.float32)
    major_table = jax.random.normal(k5, (NUM_MAJORS, EMBED_DIM), dtype=jnp.float32)
    subject_table = jax.random.normal(k6, (NUM_SUBJECTS, EMBED_DIM), dtype=jnp.float32)
    return {
        "job_indices": job_indices,
        "major_indices": major_indices,
        "subject_indices": subject_indices,
        "job_table": job_table,
        "major_table": major_table,
        "subject_table": subject_table,
    }


def reference(job_indices, major_indices, subject_indices, job_table, major_table, subject_table):
    job_embedded = jnp.take(job_table, job_indices, axis=0)          # [J, D]
    major_embedded = jnp.take(major_table, major_indices, axis=0)    # [M, D]
    subject_embedded = jnp.take(subject_table, subject_indices, axis=0)  # [S, D]
    job_major_similarity = _pairwise_cosine(job_embedded, major_embedded)        # [J, M]
    major_subject_similarity = _pairwise_cosine(major_embedded, subject_embedded)  # [M, S]
    final_similarity = job_major_similarity[:, :, None] * major_subject_similarity[None, :, :]  # [J, M, S]
    return final_similarity.reshape(-1)

if __name__ == "__main__":
    import jax
    _d = setup_inputs()
    print(jax.jit(kernel)(*tuple(_d.values())))

</pallas_src>

<mosaic_0001>
#map = affine_map<(d0, d1) -> (0)>
#map1 = affine_map<(d0, d1) -> (0, 0)>
module attributes {stable_mosaic.version = 14 : i64} {
  func.func @_gather_body(%arg0: i32, %arg1: i32, %arg2: memref<1024xi32, #tpu.memory_space<hbm>>, %arg3: memref<128xi32, #tpu.memory_space<hbm>>, %arg4: memref<128xi32, #tpu.memory_space<hbm>>, %arg5: memref<100000x128xf32, #tpu.memory_space<hbm>>, %arg6: memref<1000x128xf32, #tpu.memory_space<hbm>>, %arg7: memref<1000x128xf32, #tpu.memory_space<hbm>>, %arg8: memref<1024x128xf32, #tpu.memory_space<hbm>>, %arg9: memref<128x128xf32, #tpu.memory_space<hbm>>, %arg10: memref<128x128xf32, #tpu.memory_space<hbm>>, %arg11: memref<32xi32, #tpu.memory_space<vmem>>, %arg12: memref<32x128xf32, #tpu.memory_space<vmem>>, %arg13: memref<8xi32, #tpu.memory_space<vmem>>, %arg14: memref<8x128xf32, #tpu.memory_space<vmem>>, %arg15: memref<8xi32, #tpu.memory_space<vmem>>, %arg16: memref<8x128xf32, #tpu.memory_space<vmem>>, %arg17: memref<!tpu.dma_semaphore, #tpu.memory_space<semaphore_mem>>, %arg18: memref<!tpu.dma_semaphore, #tpu.memory_space<semaphore_mem>>, %arg19: memref<!tpu.dma_semaphore, #tpu.memory_space<semaphore_mem>>) attributes {dimension_semantics = [#tpu.dimension_semantics<core_parallel>, #tpu.dimension_semantics<subcore_parallel>], iteration_bounds = array<i64: 2, 16>, scalar_prefetch = 0 : i64, scratch_operands = 9 : i64, tpu.core_type = #tpu.core_type<sc_vector_subcore>, window_params = [{transform_indices = #map}, {transform_indices = #map}, {transform_indices = #map}, {transform_indices = #map1}, {transform_indices = #map1}, {transform_indices = #map1}, {transform_indices = #map1}, {transform_indices = #map1}, {transform_indices = #map1}]} {
    %mul3A = arith.constant 2 : i32
    %mul3A_0 = arith.muli %arg1, %mul3A : i32
    %add3A = arith.addi %mul3A_0, %arg0 : i32
    %rem3A = arith.constant 16 : i32
    %rem3A_1 = arith.remsi %add3A, %rem3A : i32
    %mul3A_2 = arith.constant 32 : i32
    %mul3A_3 = arith.muli %add3A, %mul3A_2 : i32
    %multiple_of3A = tpu.assume_multiple %mul3A_3, 8 : i32
    %mul3A_4 = arith.constant 8 : i32
    %mul3A_5 = arith.muli %rem3A_1, %mul3A_4 : i32
    %multiple_of3A_6 = tpu.assume_multiple %mul3A_5, 8 : i32
    %dma_start3A = tpu.memref_slice %arg2[%multiple_of3A] : memref<1024xi32, #tpu.memory_space<hbm>> -> memref<32xi32, #tpu.memory_space<hbm>>
    %dma_start3A_7 = tpu.memref_slice %arg2[%multiple_of3A] : memref<1024xi32, #tpu.memory_space<hbm>> -> memref<32xi32, #tpu.memory_space<hbm>>
    tpu.enqueue_dma source(%dma_start3A_7 : memref<32xi32, #tpu.memory_space<hbm>>) target(%arg11 : memref<32xi32, #tpu.memory_space<vmem>>) target_semaphore(%arg17 : memref<!tpu.dma_semaphore, #tpu.memory_space<semaphore_mem>>)
    %dma_start3A_8 = tpu.memref_slice %arg3[%multiple_of3A_6] : memref<128xi32, #tpu.memory_space<hbm>> -> memref<8xi32, #tpu.memory_space<hbm>>
    %dma_start3A_9 = tpu.memref_slice %arg3[%multiple_of3A_6] : memref<128xi32, #tpu.memory_space<hbm>> -> memref<8xi32, #tpu.memory_space<hbm>>
    tpu.enqueue_dma source(%dma_start3A_9 : memref<8xi32, #tpu.memory_space<hbm>>) target(%arg13 : memref<8xi32, #tpu.memory_space<vmem>>) target_semaphore(%arg18 : memref<!tpu.dma_semaphore, #tpu.memory_space<semaphore_mem>>)
    %dma_start3A_10 = tpu.memref_slice %arg4[%multiple_of3A_6] : memref<128xi32, #tpu.memory_space<hbm>> -> memref<8xi32, #tpu.memory_space<hbm>>
    %dma_start3A_11 = tpu.memref_slice %arg4[%multiple_of3A_6] : memref<128xi32, #tpu.memory_space<hbm>> -> memref<8xi32, #tpu.memory_space<hbm>>
    tpu.enqueue_dma source(%dma_start3A_11 : memref<8xi32, #tpu.memory_space<hbm>>) target(%arg15 : memref<8xi32, #tpu.memory_space<vmem>>) target_semaphore(%arg19 : memref<!tpu.dma_semaphore, #tpu.memory_space<semaphore_mem>>)
    %dma_wait3A = tpu.memref_slice %arg3[%multiple_of3A_6] : memref<128xi32, #tpu.memory_space<hbm>> -> memref<8xi32, #tpu.memory_space<hbm>>
    %dma_wait3A_12 = tpu.memref_slice %arg3[%multiple_of3A_6] : memref<128xi32, #tpu.memory_space<hbm>> -> memref<8xi32, #tpu.memory_space<hbm>>
    tpu.wait_dma2 semaphore(%arg18 : memref<!tpu.dma_semaphore, #tpu.memory_space<semaphore_mem>>) src(%dma_wait3A_12 : memref<8xi32, #tpu.memory_space<hbm>>) dst(%arg13 : memref<8xi32, #tpu.memory_space<vmem>>)
    %dma_start3A_13 = arith.constant 0 : i32
    %dma_start3A_14 = arith.constant 0 : i32
    %dma_start3A_15 = tpu.memref_slice %arg6[%dma_start3A_13, %dma_start3A_14] : memref<1000x128xf32, #tpu.memory_space<hbm>> -> memref<1000x128xf32, #tpu.memory_space<hbm>>
    tpu.enqueue_indirect_dma source(%dma_start3A_15 : memref<1000x128xf32, #tpu.memory_space<hbm>>) target(%arg14 : memref<8x128xf32, #tpu.memory_space<vmem>>) offsets(%arg13 : memref<8xi32, #tpu.memory_space<vmem>>) semaphore(%arg18 : memref<!tpu.dma_semaphore, #tpu.memory_space<semaphore_mem>>)
    %dma_wait3A_16 = tpu.memref_slice %arg4[%multiple_of3A_6] : memref<128xi32, #tpu.memory_space<hbm>> -> memref<8xi32, #tpu.memory_space<hbm>>
    %dma_wait3A_17 = tpu.memref_slice %arg4[%multiple_of3A_6] : memref<128xi32, #tpu.memory_space<hbm>> -> memref<8xi32, #tpu.memory_space<hbm>>
    tpu.wait_dma2 semaphore(%arg19 : memref<!tpu.dma_semaphore, #tpu.memory_space<semaphore_mem>>) src(%dma_wait3A_17 : memref<8xi32, #tpu.memory_space<hbm>>) dst(%arg15 : memref<8xi32, #tpu.memory_space<vmem>>)
    %dma_start3A_18 = arith.constant 0 : i32
    %dma_start3A_19 = arith.constant 0 : i32
    %dma_start3A_20 = tpu.memref_slice %arg7[%dma_start3A_18, %dma_start3A_19] : memref<1000x128xf32, #tpu.memory_space<hbm>> -> memref<1000x128xf32, #tpu.memory_space<hbm>>
    tpu.enqueue_indirect_dma source(%dma_start3A_20 : memref<1000x128xf32, #tpu.memory_space<hbm>>) target(%arg16 : memref<8x128xf32, #tpu.memory_space<vmem>>) offsets(%arg15 : memref<8xi32, #tpu.memory_space<vmem>>) semaphore(%arg19 : memref<!tpu.dma_semaphore, #tpu.memory_space<semaphore_mem>>)
    %dma_wait3A_21 = tpu.memref_slice %arg2[%multiple_of3A] : memref<1024xi32, #tpu.memory_space<hbm>> -> memref<32xi32, #tpu.memory_space<hbm>>
    %dma_wait3A_22 = tpu.memref_slice %arg2[%multiple_of3A] : memref<1024xi32, #tpu.memory_space<hbm>> -> memref<32xi32, #tpu.memory_space<hbm>>
    tpu.wait_dma2 semaphore(%arg17 : memref<!tpu.dma_semaphore, #tpu.memory_space<semaphore_mem>>) src(%dma_wait3A_22 : memref<32xi32, #tpu.memory_space<hbm>>) dst(%arg11 : memref<32xi32, #tpu.memory_space<vmem>>)
    %dma_start3A_23 = arith.constant 0 : i32
    %dma_start3A_24 = arith.constant 0 : i32
    %dma_start3A_25 = tpu.memref_slice %arg5[%dma_start3A_23, %dma_start3A_24] : memref<100000x128xf32, #tpu.memory_space<hbm>> -> memref<100000x128xf32, #tpu.memory_space<hbm>>
    tpu.enqueue_indirect_dma source(%dma_start3A_25 : memref<100000x128xf32, #tpu.memory_space<hbm>>) target(%arg12 : memref<32x128xf32, #tpu.memory_space<vmem>>) offsets(%arg11 : memref<32xi32, #tpu.memory_space<vmem>>) semaphore(%arg17 : memref<!tpu.dma_semaphore, #tpu.memory_space<semaphore_mem>>)
    %dma_wait3A_26 = arith.constant 0 : i32
    %dma_wait3A_27 = arith.constant 0 : i32
    %dma_wait3A_28 = tpu.memref_slice %arg6[%dma_wait3A_26, %dma_wait3A_27] : memref<1000x128xf32, #tpu.memory_space<hbm>> -> memref<1000x128xf32, #tpu.memory_space<hbm>>
    tpu.wait_indirect_dma semaphore(%arg18 : memref<!tpu.dma_semaphore, #tpu.memory_space<semaphore_mem>>) src(%dma_wait3A_28 : memref<1000x128xf32, #tpu.memory_space<hbm>>) dst(%arg14 : memref<8x128xf32, #tpu.memory_space<vmem>>)
    %dma_start3A_29 = arith.constant 0 : i32
    %dma_start3A_30 = tpu.memref_slice %arg9[%multiple_of3A_6, %dma_start3A_29] : memref<128x128xf32, #tpu.memory_space<hbm>> -> memref<8x128xf32, #tpu.memory_space<hbm>>
    %dma_start3A_31 = arith.constant 0 : i32
    %dma_start3A_32 = tpu.memref_slice %arg9[%multiple_of3A_6, %dma_start3A_31] : memref<128x128xf32, #tpu.memory_space<hbm>> -> memref<8x128xf32, #tpu.memory_space<hbm>>
    tpu.enqueue_dma source(%arg14 : memref<8x128xf32, #tpu.memory_space<vmem>>) target(%dma_start3A_32 : memref<8x128xf32, #tpu.memory_space<hbm>>) target_semaphore(%arg18 : memref<!tpu.dma_semaphore, #tpu.memory_space<semaphore_mem>>)
    %dma_wait3A_33 = arith.constant 0 : i32
    %dma_wait3A_34 = arith.constant 0 : i32
    %dma_wait3A_35 = tpu.memref_slice %arg7[%dma_wait3A_33, %dma_wait3A_34] : memref<1000x128xf32, #tpu.memory_space<hbm>> -> memref<1000x128xf32, #tpu.memory_space<hbm>>
    tpu.wait_indirect_dma semaphore(%arg19 : memref<!tpu.dma_semaphore, #tpu.memory_space<semaphore_mem>>) src(%dma_wait3A_35 : memref<1000x128xf32, #tpu.memory_space<hbm>>) dst(%arg16 : memref<8x128xf32, #tpu.memory_space<vmem>>)
    %dma_start3A_36 = arith.constant 0 : i32
    %dma_start3A_37 = tpu.memref_slice %arg10[%multiple_of3A_6, %dma_start3A_36] : memref<128x128xf32, #tpu.memory_space<hbm>> -> memref<8x128xf32, #tpu.memory_space<hbm>>
    %dma_start3A_38 = arith.constant 0 : i32
    %dma_start3A_39 = tpu.memref_slice %arg10[%multiple_of3A_6, %dma_start3A_38] : memref<128x128xf32, #tpu.memory_space<hbm>> -> memref<8x128xf32, #tpu.memory_space<hbm>>
    tpu.enqueue_dma source(%arg16 : memref<8x128xf32, #tpu.memory_space<vmem>>) target(%dma_start3A_39 : memref<8x128xf32, #tpu.memory_space<hbm>>) target_semaphore(%arg19 : memref<!tpu.dma_semaphore, #tpu.memory_space<semaphore_mem>>)
    %dma_wait3A_40 = arith.constant 0 : i32
    %dma_wait3A_41 = arith.constant 0 : i32
    %dma_wait3A_42 = tpu.memref_slice %arg5[%dma_wait3A_40, %dma_wait3A_41] : memref<100000x128xf32, #tpu.memory_space<hbm>> -> memref<100000x128xf32, #tpu.memory_space<hbm>>
    tpu.wait_indirect_dma semaphore(%arg17 : memref<!tpu.dma_semaphore, #tpu.memory_space<semaphore_mem>>) src(%dma_wait3A_42 : memref<100000x128xf32, #tpu.memory_space<hbm>>) dst(%arg12 : memref<32x128xf32, #tpu.memory_space<vmem>>)
    %dma_start3A_43 = arith.constant 0 : i32
    %dma_start3A_44 = tpu.memref_slice %arg8[%multiple_of3A, %dma_start3A_43] : memref<1024x128xf32, #tpu.memory_space<hbm>> -> memref<32x128xf32, #tpu.memory_space<hbm>>
    %dma_start3A_45 = arith.constant 0 : i32
    %dma_start3A_46 = tpu.memref_slice %arg8[%multiple_of3A, %dma_start3A_45] : memref<1024x128xf32, #tpu.memory_space<hbm>> -> memref<32x128xf32, #tpu.memory_space<hbm>>
    tpu.enqueue_dma source(%arg12 : memref<32x128xf32, #tpu.memory_space<vmem>>) target(%dma_start3A_46 : memref<32x128xf32, #tpu.memory_space<hbm>>) target_semaphore(%arg17 : memref<!tpu.dma_semaphore, #tpu.memory_space<semaphore_mem>>)
    %dma_wait3A_47 = arith.constant 0 : i32
    %dma_wait3A_48 = tpu.memref_slice %arg9[%multiple_of3A_6, %dma_wait3A_47] : memref<128x128xf32, #tpu.memory_space<hbm>> -> memref<8x128xf32, #tpu.memory_space<hbm>>
    %dma_wait3A_49 = arith.constant 0 : i32
    %dma_wait3A_50 = tpu.memref_slice %arg9[%multiple_of3A_6, %dma_wait3A_49] : memref<128x128xf32, #tpu.memory_space<hbm>> -> memref<8x128xf32, #tpu.memory_space<hbm>>
    tpu.wait_dma2 semaphore(%arg18 : memref<!tpu.dma_semaphore, #tpu.memory_space<semaphore_mem>>) src(%arg14 : memref<8x128xf32, #tpu.memory_space<vmem>>) dst(%dma_wait3A_50 : memref<8x128xf32, #tpu.memory_space<hbm>>)
    %dma_wait3A_51 = arith.constant 0 : i32
    %dma_wait3A_52 = tpu.memref_slice %arg10[%multiple_of3A_6, %dma_wait3A_51] : memref<128x128xf32, #tpu.memory_space<hbm>> -> memref<8x128xf32, #tpu.memory_space<hbm>>
    %dma_wait3A_53 = arith.constant 0 : i32
    %dma_wait3A_54 = tpu.memref_slice %arg10[%multiple_of3A_6, %dma_wait3A_53] : memref<128x128xf32, #tpu.memory_space<hbm>> -> memref<8x128xf32, #tpu.memory_space<hbm>>
    tpu.wait_dma2 semaphore(%arg19 : memref<!tpu.dma_semaphore, #tpu.memory_space<semaphore_mem>>) src(%arg16 : memref<8x128xf32, #tpu.memory_space<vmem>>) dst(%dma_wait3A_54 : memref<8x128xf32, #tpu.memory_space<hbm>>)
    %dma_wait3A_55 = arith.constant 0 : i32
    %dma_wait3A_56 = tpu.memref_slice %arg8[%multiple_of3A, %dma_wait3A_55] : memref<1024x128xf32, #tpu.memory_space<hbm>> -> memref<32x128xf32, #tpu.memory_space<hbm>>
    %dma_wait3A_57 = arith.constant 0 : i32
    %dma_wait3A_58 = tpu.memref_slice %arg8[%multiple_of3A, %dma_wait3A_57] : memref<1024x128xf32, #tpu.memory_space<hbm>> -> memref<32x128xf32, #tpu.memory_space<hbm>>
    tpu.wait_dma2 semaphore(%arg17 : memref<!tpu.dma_semaphore, #tpu.memory_space<semaphore_mem>>) src(%arg12 : memref<32x128xf32, #tpu.memory_space<vmem>>) dst(%dma_wait3A_58 : memref<32x128xf32, #tpu.memory_space<hbm>>)
    return
  }
}

module attributes {stable_mosaic.version = 14 : i64} {
  func.func @_sim_body(%arg0: i32, %arg1: memref<128x128xf32, #tpu.memory_space<vmem>>, %arg2: memref<128x128xf32, #tpu.memory_space<vmem>>, %arg3: memref<128x128xf32, #tpu.memory_space<vmem>>, %arg4: memref<128x128x128xf32, #tpu.memory_space<vmem>>) attributes {dimension_semantics = [#tpu.dimension_semantics<arbitrary>], iteration_bounds = array<i64: 8>, scalar_prefetch = 0 : i64, scratch_operands = 0 : i64, tpu.core_type = #tpu.core_type<tc>, window_params = [{transform_indices = @transform_0, window_bounds = array<i64: 128, 128>}, {pipeline_mode = #tpu.pipeline_mode<synchronous>, transform_indices = @transform_1, window_bounds = array<i64: 128, 128>}, {pipeline_mode = #tpu.pipeline_mode<synchronous>, transform_indices = @transform_2, window_bounds = array<i64: 128, 128>}, {transform_indices = @transform_3, window_bounds = array<i64: 128, 128, 128>}]} {
    %get3A = arith.constant 0 : index
    %get3A_0 = arith.constant 0 : index
    %get3A_1 = vector.load %arg1[%get3A, %get3A_0] : memref<128x128xf32, #tpu.memory_space<vmem>>, vector<128x128xf32>
    %get3A_2 = arith.constant 0 : index
    %get3A_3 = arith.constant 0 : index
    %get3A_4 = vector.load %arg2[%get3A_2, %get3A_3] : memref<128x128xf32, #tpu.memory_space<vmem>>, vector<128x128xf32>
    %get3A_5 = arith.constant 0 : index
    %get3A_6 = arith.constant 0 : index
    %get3A_7 = vector.load %arg3[%get3A_5, %get3A_6] : memref<128x128xf32, #tpu.memory_space<vmem>>, vector<128x128xf32>
    %mul3A = arith.mulf %get3A_1, %get3A_1 : vector<128x128xf32>
    %reduce_sum3A = arith.constant dense<0.000000e+00> : vector<128xf32>
    %reduce_sum3A_8 = vector.multi_reduction <add>, %mul3A, %reduce_sum3A [1] : vector<128x128xf32> to vector<128xf32>
    %sqrt3A = math.sqrt %reduce_sum3A_8 : vector<128xf32>
    %mul3A_9 = arith.mulf %get3A_4, %get3A_4 : vector<128x128xf32>
    %reduce_sum3A_10 = arith.constant dense<0.000000e+00> : vector<128xf32>
    %reduce_sum3A_11 = vector.multi_reduction <add>, %mul3A_9, %reduce_sum3A_10 [1] : vector<128x128xf32> to vector<128xf32>
    %sqrt3A_12 = math.sqrt %reduce_sum3A_11 : vector<128xf32>
    %mul3A_13 = arith.mulf %get3A_7, %get3A_7 : vector<128x128xf32>
    %reduce_sum3A_14 = arith.constant dense<0.000000e+00> : vector<128xf32>
    %reduce_sum3A_15 = vector.multi_reduction <add>, %mul3A_13, %reduce_sum3A_14 [1] : vector<128x128xf32> to vector<128xf32>
    %sqrt3A_16 = math.sqrt %reduce_sum3A_15 : vector<128xf32>
    %dot_general3A = arith.constant dense<0.000000e+00> : vector<128x128xf32>
    %dot_general3A_17 = tpu.matmul %get3A_1, %get3A_4, %dot_general3A {dimension_numbers = #tpu.dot_dimension_numbers<[1], [1], [0], [0], [0, 0, 1, 0], [], []>, transpose_lhs_hint = false} : vector<128x128xf32>, vector<128x128xf32>, vector<128x128xf32> -> vector<128x128xf32>
    %broadcast_in_dim3A = vector.shape_cast %sqrt3A : vector<128xf32> to vector<128x1xf32>
    %broadcast_in_dim3A_18 = vector.shape_cast %sqrt3A_12 : vector<128xf32> to vector<1x128xf32>
    %mul3A_19 = vector.broadcast %broadcast_in_dim3A : vector<128x1xf32> to vector<128x128xf32>
    %mul3A_20 = vector.broadcast %broadcast_in_dim3A_18 : vector<1x128xf32> to vector<128x128xf32>
    %mul3A_21 = arith.mulf %mul3A_19, %mul3A_20 : vector<128x128xf32>
    %max3A = arith.constant 9.99999993E-9 : f32
    %max3A_22 = vector.broadcast %max3A : f32 to vector<128x128xf32>
    %max3A_23 = arith.maximumf %mul3A_21, %max3A_22 : vector<128x128xf32>
    %div3A = arith.divf %dot_general3A_17, %max3A_23 : vector<128x128xf32>
    %dot_general3A_24 = arith.constant dense<0.000000e+00> : vector<128x128xf32>
    %dot_general3A_25 = tpu.matmul %get3A_4, %get3A_7, %dot_general3A_24 {dimension_numbers = #tpu.dot_dimension_numbers<[1], [1], [0], [0], [0, 0, 1, 0], [], []>, transpose_lhs_hint = false} : vector<128x128xf32>, vector<128x128xf32>, vector<128x128xf32> -> vector<128x128xf32>
    %broadcast_in_dim3A_26 = vector.shape_cast %sqrt3A_12 : vector<128xf32> to vector<128x1xf32>
    %broadcast_in_dim3A_27 = vector.shape_cast %sqrt3A_16 : vector<128xf32> to vector<1x128xf32>
    %mul3A_28 = vector.broadcast %broadcast_in_dim3A_26 : vector<128x1xf32> to vector<128x128xf32>
    %mul3A_29 = vector.broadcast %broadcast_in_dim3A_27 : vector<1x128xf32> to vector<128x128xf32>
    %mul3A_30 = arith.mulf %mul3A_28, %mul3A_29 : vector<128x128xf32>
    %max3A_31 = arith.constant 9.99999993E-9 : f32
    %max3A_32 = vector.broadcast %max3A_31 : f32 to vector<128x128xf32>
    %max3A_33 = arith.maximumf %mul3A_30, %max3A_32 : vector<128x128xf32>
    %div3A_34 = arith.divf %dot_general3A_25, %max3A_33 : vector<128x128xf32>
    %broadcast_in_dim3A_35 = vector.shape_cast %div3A : vector<128x128xf32> to vector<128x128x1xf32>
    %broadcast_in_dim3A_36 = vector.shape_cast %div3A_34 : vector<128x128xf32> to vector<1x128x128xf32>
    %mul3A_37 = vector.broadcast %broadcast_in_dim3A_35 : vector<128x128x1xf32> to vector<128x128x128xf32>
    %mul3A_38 = vector.broadcast %broadcast_in_dim3A_36 : vector<1x128x128xf32> to vector<128x128x128xf32>
    %mul3A_39 = arith.mulf %mul3A_37, %mul3A_38 : vector<128x128x128xf32>
    %swap3A = arith.constant 0 : index
    %swap3A_40 = arith.constant 0 : index
    %swap3A_41 = arith.constant 0 : index
    %swap3A_42 = vector.load %arg4[%swap3A, %swap3A_40, %swap3A_41] : memref<128x128x128xf32, #tpu.memory_space<vmem>>, vector<128x128x128xf32>
    tpu.vector_store %arg4[%swap3A, %swap3A_40, %swap3A_41], %mul3A_39 {strides = array<i32>} : memref<128x128x128xf32, #tpu.memory_space<vmem>>, vector<128x128x128xf32>,
    return
  }
  func.func @transform_0(%arg0: i32) -> (i32, i32) {
    %c0_i32 = arith.constant 0 : i32
    %c0_i32_0 = arith.constant 0 : i32
    return %arg0, %c0_i32 : i32, i32
  }
  func.func @transform_1(%arg0: i32) -> (i32, i32) {
    %c0_i32 = arith.constant 0 : i32
    %c0_i32_0 = arith.constant 0 : i32
    %c0_i32_1 = arith.constant 0 : i32
    return %c0_i32, %c0_i32_0 : i32, i32
  }
  func.func @transform_2(%arg0: i32) -> (i32, i32) {
    %c0_i32 = arith.constant 0 : i32
    %c0_i32_0 = arith.constant 0 : i32
    %c0_i32_1 = arith.constant 0 : i32
    return %c0_i32, %c0_i32_0 : i32, i32
  }
  func.func @transform_3(%arg0: i32) -> (i32, i32, i32) {
    %c0_i32 = arith.constant 0 : i32
    %c0_i32_0 = arith.constant 0 : i32
    %c0_i32_1 = arith.constant 0 : i32
    return %arg0, %c0_i32, %c0_i32_0 : i32, i32, i32
  }
}

</mosaic_0001>

<sc_bundles>
// kernel: kernel.4.cloned.1.call-start
scs
__scs_entry_jumppad:
0x0: {  	(pc) =	sbr.rel $0x88, $3  }
0x1: {  	(tag) =	ssettag $0x0;
	lr =	simm.s32 $0x1  }
0x2: {  	[smem:$0x3F9B] =	sst lr;
	_ =	strace $0xD0000000  }
0x3: {  	_ = 	snop  }
0x4: {  	_ = 	snop  }
0x5: {  	_ = 	snop  }
0x6: {  	_ = 	snop  }
0x7: {  	_ = 	snop  }
__scs_overlays_trampoline_lowered:
0x8: {  	[smem:$0x3FAA] =	sst s0  }
0x9: {  	[smem:$0x3FAB] =	sst s1  }
0xa: {  	[smem:$0x3FAC] =	sst s2  }
0xb: {  	[smem:$0x3FAD] =	sst s3  }
0xc: {  	[smem:$0x3FAE] =	sst s4  }
0xd: {  	[smem:$0x3FAF] =	sst s5  }
0xe: {  	[smem:$0x3FB0] =	sst s6  }
0xf: {  	[smem:$0x3FB1] =	sst s7  }
0x10: {  	[smem:$0x3FB2] =	sst s8  }
0x11: {  	[smem:$0x3FB3] =	sst s9;
	s0 =	simm.s32 @!p0 $0x0  }
0x12: {  	s1 =	sld [smem:$0x3F99];
	s0 =	simm.s32 @p0 $0x1  }
0x13: {  	[smem:$0x3FB4] =	sst s0;
	s0 =	simm.s32 @!p1 $0x0  }
0x14: {  	s2 =	sld [smem:$0x3F98];
	s0 =	simm.s32 @p1 $0x1  }
0x15: {  	[smem:$0x3FB5] =	sst s0;
	s0 =	simm.s32 @!p2 $0x0  }
0x16: {  	s3 =	sld [smem:$0x3FDB];
	s0 =	simm.s32 @p2 $0x1  }
0x17: {  	s4 =	simm.s32 $0x1BF5;
	[smem:$0x3FB7] =	sst s0  }
0x18: {  	s0 =	sld [smem:$0x3F9A];
	_ =	swait.ge [sflag:s4], $0x0  }
0x19: {  	s7 =	sld [smem:$0x3F9B]  }
0x1a: {  	s8 =	sadd.s32 $0xFFFFE003, lr  }
0x1b: {  	s9 =	sadd.s32 $0xFFFFFEF7, lr;
	s5 =	simm.s32 $0xFFFFFFFF;
	p2 =	slt.u32 s8, $0xFFFFF086  }
0x1c: {  	p1 =	slt.u32 s9, $0xF7A;
	s5 =	simm.s32 @!p2 $0x0  }
0x1d: {  	s5 =	simm.s32 @p1 $0x1;
	p0 =	seq.s32 s7, s2  }
0x1e: {  	s7 =	smul.u32 @!p0 $0xF7A, s2;
	p2 =	seq.s32 @!p0 s5, $0x0  }
0x1f: {  	s9 =	smul.u32 $0xF7A, s1;
	s8 =	simm.s32 @!p0 $0x1BF5;
	p2 =	por !p2, p0  }
0x20: {  	[sflag:s8] =	ssyncset.s32 @!p0 $0xFFFFF086;
	s6 =	sadd.s32 @!p0 s3, s7;
	s7 =	simm.s32 @!p0 $0x108  }
0x21: {  	s3 =	sadd.s32 s3, s9;
	s6 =	sadd.s32 @!p0 $0x88, s6;
	s7 =	simm.s32 @p2 $0x1082  }
0x22: {  	[simem:s7], [sflag:s8] =	dma.local @!p0 [hbm:s6], $0xF7A  }
0x23: {  	s9 =	sor.u32 $0xD0000000, s2;
	s6 =	simm.s32 $0x108;
	_ =	swait.ge @!p0 [sflag:s8], $0x0  }
0x24: {  	s3 =	sadd.s32 $0x88, s3;
	s6 =	simm.s32 @!p1 $0x1082;
	[sflag:s4] =	ssyncset.s32 $0xFFFFF086  }
0x25: {  	[simem:s6], [sflag:s4] =	dma.local [hbm:s3], $0xF7A  }
0x26: {  	[smem:$0x3F9B] =	sst s1;
	(tag) =	ssettag s2;
	_ =	strace s9  }
0x27: {  	s1 =	sld [smem:$0x3FAB]  }
0x28: {  	s2 =	sld [smem:$0x3FAC]  }
0x29: {  	s4 =	sld [smem:$0x3FAE]  }
0x2a: {  	p0 =	seq.s32 s5, $0x0;
	s5 =	sld [smem:$0x3FAF]  }
0x2b: {  	s6 =	sld [smem:$0x3FB0]  }
0x2c: {  	s7 =	sld [smem:$0x3FB1]  }
0x2d: {  	s3 =	simm.s32 $0x108;
	s8 =	sld [smem:$0x3FB2]  }
0x2e: {  	s3 =	simm.s32 @!p0 $0x1082;
	s9 =	sld [smem:$0x3FB3]  }
0x2f: {  	lr =	sadd.s32 s0, s3;
	s0 =	sld [smem:$0x3FAA]  }
0x30: {  	s3 =	sld [smem:$0x3FAD]  }
0x31: {  	[smem:$0x3FB6] =	sst s10  }
0x32: {  	s10 =	sld [smem:$0x3FB4];
	_ =	sdelay $0x3  }
0x33: {  	p0 =	seq.s32 s10, $0x1;
	s10 =	sld [smem:$0x3FB6];
	_ =	sdelay $0x3  }
0x34: {  	[smem:$0x3FB6] =	sst s10  }
0x35: {  	s10 =	sld [smem:$0x3FB5];
	_ =	sdelay $0x3  }
0x36: {  	p1 =	seq.s32 s10, $0x1;
	s10 =	sld [smem:$0x3FB6];
	_ =	sdelay $0x3  }
0x37: {  	[smem:$0x3FB6] =	sst s10  }
0x38: {  	s10 =	sld [smem:$0x3FB7]  }
0x39: {  	_ = 	snop;
	(pc) =	sbr.ind lr, $3  }
0x3a: {  	_ = 	snop  }
0x3b: {  	_ = 	snop  }
0x3c: {  	p2 =	seq.s32 s10, $0x1;
	s10 =	sld [smem:$0x3FB6]  }
0x3d: {  	_ =	shalt  }
0x3e: {  	_ =	shalt  }
0x3f: {  	_ =	shalt  }
0x40: {  	_ =	shalt  }
0x41: {  	_ =	shalt  }
0x42: {  	_ =	shalt  }
0x43: {  	_ =	shalt  }
0x44: {  	_ =	shalt  }
0x45: {  	_ =	shalt  }
0x46: {  	_ =	shalt  }
0x47: {  	_ =	shalt  }
0x48: {  	_ =	shalt  }
0x49: {  	_ =	shalt  }
0x4a: {  	_ =	shalt  }
0x4b: {  	_ =	shalt  }
0x4c: {  	_ =	shalt  }
0x4d: {  	_ =	shalt  }
0x4e: {  	_ =	shalt  }
0x4f: {  	_ =	shalt  }
0x50: {  	_ =	shalt  }
0x51: {  	_ =	shalt  }
0x52: {  	_ =	shalt  }
0x53: {  	_ =	shalt  }
0x54: {  	_ =	shalt  }
0x55: {  	_ =	shalt  }
0x56: {  	_ =	shalt  }
0x57: {  	_ =	shalt  }
0x58: {  	_ =	shalt  }
0x59: {  	_ =	shalt  }
0x5a: {  	_ =	shalt  }
0x5b: {  	_ =	shalt  }
0x5c: {  	_ =	shalt  }
0x5d: {  	_ =	shalt  }
0x5e: {  	_ =	shalt  }
0x5f: {  	_ =	shalt  }
0x60: {  	_ =	shalt  }
0x61: {  	_ =	shalt  }
0x62: {  	_ =	shalt  }
0x63: {  	_ =	shalt  }
0x64: {  	_ =	shalt  }
0x65: {  	_ =	shalt  }
0x66: {  	_ =	shalt  }
0x67: {  	_ =	shalt  }
0x68: {  	_ =	shalt  }
0x69: {  	_ =	shalt  }
0x6a: {  	_ =	shalt  }
0x6b: {  	_ =	shalt  }
0x6c: {  	_ =	shalt  }
0x6d: {  	_ =	shalt  }
0x6e: {  	_ =	shalt  }
0x6f: {  	_ =	shalt  }
0x70: {  	_ =	shalt  }
0x71: {  	_ =	shalt  }
0x72: {  	_ =	shalt  }
0x73: {  	_ =	shalt  }
0x74: {  	_ =	shalt  }
0x75: {  	_ =	shalt  }
0x76: {  	_ =	shalt  }
0x77: {  	_ =	shalt  }
0x78: {  	_ =	shalt  }
0x79: {  	_ =	shalt  }
0x7a: {  	_ =	shalt  }
0x7b: {  	_ =	shalt  }
0x7c: {  	_ =	shalt  }
0x7d: {  	_ =	shalt  }
0x7e: {  	_ =	shalt  }
0x7f: {  	_ =	shalt  }
0x80: {  	_ =	shalt  }
0x81: {  	_ =	shalt  }
0x82: {  	_ =	shalt  }
0x83: {  	_ =	shalt  }
0x84: {  	_ =	shalt  }
0x85: {  	_ =	shalt  }
0x86: {  	_ =	shalt  }
0x87: {  	_ =	shalt  }
.Lfunc_end0:
.L_simem_size_0:
called_computation_lowered:
.L_overlay_start_0:
0x88: {  	s2 =	sld [smem:$0x3FD9]  }
0x89: {  	s3 =	sld [smem:$0x3FFE];
	_ =	sdelay $0x1  }
0x8a: {  	s1 =	srdreg.scid  }
0x8b: {  	s0 =	sand.u32 $0x1, s1  }
0x8c: {  	s17 =	sshll.u32 s0, $0xA;
	s2 =	sadd.s32 s3, s2  }
0x8d: {  	s2 =	sadd.s32 s2, s17  }
0x8e: {  	[smem:$0x3FC2] =	sst s2  }
0x8f: {  	_ = 	snop  }
0x90: {  	s2 =	sld [smem:$0x3FC9]  }
0x91: {  	s18 =	sld [smem:$0x3FC8]  }
0x92: {  	s4 =	sld [smem:$0x3FC7]  }
0x93: {  	s5 =	sld [smem:$0x3FC6]  }
0x94: {  	s6 =	sld [smem:$0x3FC5]  }
0x95: {  	s7 =	sld [smem:$0x3FC4]  }
0x96: {  	s8 =	sld [smem:$0x3FD0];
	(tm) =	ssettm $0x1  }
0x97: {  	s9 =	sld [smem:$0x3FFB];
	_ =	sdelay $0x3  }
0x98: {  	_ =	strace s9  }
0x99: {  	s9 =	sld [smem:$0x3FFC];
	_ =	sdelay $0x3  }
0x9a: {  	_ =	strace s9  }
0x9b: {  	s9 =	sld [smem:$0x3FFD];
	_ =	sdelay $0x3  }
0x9c: {  	_ =	strace s9  }
0x9d: {  	_ =	strace $0x8FFFFFFF  }
0x9e: {  	s19 =	sld [smem:$0x3FDB];
	_ =	sdelay $0x1  }
0x9f: {  	s10 =	simm.s32 $_scs_section_size  }
0xa0: {  	s11 =	simm.s32 $_size__tile_overlayer_lowered;
	s12 =	simm.s32 $_tile_overlayer_lowered  }
0xa1: {  	s22 =	simm.s32 $0x1BFF;
	s21 =	sshll.u32 s12, $0x1;
	s9 =	sadd.s32 s10, s19  }
0xa2: {  	s13 =	simm.s32 $0x0;
	s20 =	sshll.u32 s11, $0x1;
	s11 =	sadd.s32 s21, s9  }
0xa3: {  	[timem:s13], [sflag:s22] =	dma.local [hbm:s11], s20  }
0xa4: {  	_ =	swait.ge [sflag:s22], s20  }
0xa5: {  	s10 =	ssub.s32 $0x0, s20;
	[sflag:s22] =	ssyncset.done $0x0  }
0xa6: {  	[sflag:s22] =	ssyncadd.s32 s10;
	_ =	sdelay $0x1  }
0xa7: {  	s23 =	simm.s32 $0x1B8B  }
0xa8: {  	_ =	swait.ge [sflag:s23], $0x1  }
0xa9: {  	[sflag:s23] =	ssyncset.done $0x0  }
0xaa: {  	s25 =	simm.s32 $0x1B8E;
	s24 =	sld [smem:$0x3FFE];
	[sflag:s23] =	ssyncadd.s32 $0xFFFFFFFF  }
0xab: {  	s26 =	simm.s32 $execute0_lowered;
	[smem:$0x3FD2] =	sst s25  }
0xac: {  	s11 =	sshll.u32 s26, $0x1;
	_ =	strace $0x80000046;
	[dreg:$0x1] =	wrdreg $0xFFFFFFFF  }
0xad: {  	s28 =	simm.s32 $_size_execute0_lowered;
	s9 =	sadd.s32 s9, s11;
	[dreg:$0x0] =	wrdreg $0x0  }
0xae: {  	s11 =	sshll.u32 s28, $0x1;
	[dreg:$0x2] =	wrdreg s9  }
0xaf: {  	[dreg:$0x3] =	wrdreg s11  }
0xb0: {  	[dreg:$0x4] =	wrdreg $0xC0  }
0xb1: {  	_ =	task [dreg:s13], $0x5FFFF  }
0xb2: {  	[dreg:$0x1] =	wrdreg $0xFFFFFFFF  }
0xb3: {  	[dreg:$0x0] =	wrdreg $0x60  }
0xb4: {  	[dreg:$0x2] =	wrdreg s2  }
0xb5: {  	[dreg:$0x3] =	wrdreg s18  }
0xb6: {  	[dreg:$0x4] =	wrdreg s4  }
0xb7: {  	[dreg:$0x5] =	wrdreg s5  }
0xb8: {  	[dreg:$0x6] =	wrdreg s6  }
0xb9: {  	[dreg:$0x7] =	wrdreg s7  }
0xba: {  	[dreg:$0x8] =	wrdreg s8  }
0xbb: {  	[dreg:$0x9] =	wrdreg s24  }
0xbc: {  	[dreg:$0xa] =	wrdreg $0x9  }
0xbd: {  	_ =	task.clear_ibuf [dreg:s13], $0xBFFFF;
	_ =	strace $0x90000046  }
0xbe: {  	s29 =	simm.s32 $0x9;
	_ =	strace $0x80000048  }
0xbf: {  	_ =	swait.ge [sflag:s29], $0x1  }
0xc0: {  	[sflag:s29] =	ssyncadd.s32 $0xFFFFFFFF  }
0xc1: {  	_ =	strace $0x90000048  }
0xc2: {  	_ =	sfence  }
0xc3: {  	s30 =	sld [smem:$0x0];
	_ =	sdelay $0x2  }
0xc4: {  	s31 =	sshll.u32 s1, $0xD;
	s1 =	sshrl.u32 s1, $0x2  }
0xc5: {  	s3 =	sand.u32 $0x4000, s31;
	s1 =	sadd.s32 s1, s30  }
0xc6: {  	s0 =	sor.u32 s3, s0;
	s1 =	sshll.u32 s1, $0x11  }
0xc7: {  	s0 =	sor.u32 s1, s0  }
0xc8: {  	s0 =	sadd.s32 $0x8F2B, s0  }
0xc9: {  	[sflag:s0] =	ssyncadd.remote.s32 $0x1  }
0xca: {  	_ =	sfence.sel $0xFFFF  }
0xcb: {  	[dreg:$0x0] =	wrdreg $0xFFFFFFFF;
	(pc) =	sbr.abs _section_cstart, $3  }
0xcc: {  	[dreg:$0x1] =	wrdreg $0xFFFFFFFF  }
0xcd: {  	_ =	task.clear_ibuf [dreg:s13], $0x2FFFF;
	_ =	strace $0x9FFFFFFF  }
0xce: {  	(tm) =	ssettm $0x7FFFFFFF  }
0xcf: {  	_ =	shalt  }
tec
execute0_lowered:
.L_overlay_start_1:
0x0: {  	(tag) =	ssettag $0x1  }
0x1: {  	s6 =	rddreg [dreg:$0x0]  }
0x2: {  	s7 =	rddreg [dreg:$0x1]  }
0x3: {  	s9 =	rddreg [dreg:$0x2]  }
0x4: {  	s1 =	rddreg [dreg:$0x3]  }
0x5: {  	s2 =	rddreg [dreg:$0x4]  }
0x6: {  	s4 =	rddreg [dreg:$0x5]  }
0x7: {  	s21 =	rddreg [dreg:$0x6]  }
0x8: {  	s3 =	srdreg.scid;
	s0 =	stileid.u32  }
0x9: {  	s19 =	rddreg [dreg:$0x7];
	s22 =	sand.u32 $0x1, s3;
	s8 =	sshll.u32 s0, $0x1  }
0xa: {  	s5 =	simm.s32 $0x0;
	s3 =	rddreg [dreg:$0x8];
	s23 =	sor.u32 s22, s8  }
0xb: {  	[smem:$0x7FF] =	sst s5;
	s8 =	sshll.u32 s23, $0x2  }
0xc: {  	_ =	strace $0x80000047;
	s20 =	sand.u32 $0xF, s23;
	s6 =	sadd.s32 s6, s8  }
0xd: {  	[tilespmem:s5], [sflag:$0x1] =	stream.linear.gather [hbm4b:s6+s5], $0x20, $0x38;
	[tilespmem:$0x1980] =	vst v63  }
0xe: {  	s7 =	sadd.s32 s7, s20;
	s8 =	simm.s32 $0x1080  }
0xf: {  	[tilespmem:s8], [sflag:$0x2] =	stream.linear.gather [hbm4b:s7+s5], $0x8, $0x38;
	[tilespmem:$0x1980] =	vst v63  }
0x10: {  	s10 =	simm.s32 $0x1500;
	s11 =	simm.s32 $0x2;
	s9 =	sadd.s32 s9, s20  }
0x11: {  	[tilespmem:s10], [sflag:$0x3] =	stream.linear.gather [hbm4b:s9+s5], $0x8, $0x38;
	[tilespmem:$0x1980] =	vst v63  }
0x12: {  	_ =	swait.ge [sflag:s11], $0x8  }
0x13: {  	s12 =	simm.s32 $0x8;
	[sflag:s11] =	ssyncset.done $0x0  }
0x14: {  	s13 =	simm.s32 $0x1100;
	s14 =	simm.s32 $0x3;
	[sflag:s11] =	ssyncadd.s32 $0xFFFFFFF8  }
0x15: {  	[tilespmem:s13], [sflag:$0x2] =	stream.indirect.gather [hbm4b:s2+s12], $0x80, s8, s12, $0xb8;
	[tilespmem:$0x1980] =	vst v63  }
0x16: {  	_ =	swait.ge [sflag:s14], $0x8  }
0x17: {  	[sflag:s14] =	ssyncset.done $0x0  }
0x18: {  	s16 =	simm.s32 $0x1580;
	s15 =	simm.s32 $0x1;
	[sflag:s14] =	ssyncadd.s32 $0xFFFFFFF8  }
0x19: {  	[tilespmem:s16], [sflag:$0x3] =	stream.indirect.gather [hbm4b:s4+s12], $0x80, s10, s12, $0xb8;
	[tilespmem:$0x1980] =	vst v63  }
0x1a: {  	_ =	swait.ge [sflag:s15], $0x20  }
0x1b: {  	[sflag:s15] =	ssyncset.done $0x0  }
0x1c: {  	s17 =	simm.s32 $0x20;
	s18 =	simm.s32 $0x80;
	[sflag:s15] =	ssyncadd.s32 $0xFFFFFFE0  }
0x1d: {  	[tilespmem:s18], [sflag:$0x1] =	stream.indirect.gather [hbm4b:s1+s17], $0x80, s5, s17, $0xb8;
	[tilespmem:$0x1980] =	vst v63  }
0x1e: {  	s20 =	sshll.u32 s20, $0x7;
	_ =	swait.ge [sflag:s11], $0x400  }
0x1f: {  	s20 =	sadd.s32 s20, s19;
	[sflag:s11] =	ssyncset.done $0x0  }
0x20: {  	s19 =	sadd.s32 $0xE00, s20;
	[sflag:s11] =	ssyncadd.s32 $0xFFFFFC00  }
0x21: {  	[hbm4b:s19+s5] =	stream.linear.scatter [tilespmem:s13], [sflag:$0x2], $0x400, $0x38;
	[tilespmem:$0x1980] =	vst v63  }
0x22: {  	_ =	swait.ge [sflag:s14], $0x400  }
0x23: {  	[sflag:s14] =	ssyncset.done $0x0  }
0x24: {  	s20 =	sadd.s32 $0x1600, s20;
	[sflag:s14] =	ssyncadd.s32 $0xFFFFFC00  }
0x25: {  	[hbm4b:s20+s5] =	stream.linear.scatter [tilespmem:s16], [sflag:$0x3], $0x400, $0x38;
	[tilespmem:$0x1980] =	vst v63  }
0x26: {  	_ =	swait.ge [sflag:s15], $0x1000  }
0x27: {  	s22 =	ssub.s32 $0x2, s22;
	s23 =	sshll.u32 s23, $0x9;
	[sflag:s15] =	ssyncset.done $0x0  }
0x28: {  	s31 =	sshrl.u32 s22, $0x1;
	s21 =	sadd.s32 s21, s23;
	[sflag:s15] =	ssyncadd.s32 $0xFFFFF000  }
0x29: {  	[hbm4b:s21+s5] =	stream.linear.scatter [tilespmem:s18], [sflag:$0x1], $0x1000, $0x38;
	[tilespmem:$0x1980] =	vst v63  }
0x2a: {  	s22 =	ssub.s32 s22, s31;
	_ =	swait.ge [sflag:s11], $0x400  }
0x2b: {  	s22 =	smax.u32 s22, $0x1;
	[sflag:s11] =	ssyncset.done $0x0  }
0x2c: {  	p0 =	sne.s32 s22, $0x1;
	[sflag:s11] =	ssyncadd.s32 $0xFFFFFC00  }
.Ltmp0:
0x2d: {  	_ =	swait.ge [sflag:s14], $0x400;
	(pc) =	sbr.rel @!p0 .LBB2_2-.Ltmp0, $4  }
0x2e: {  	[sflag:s14] =	ssyncset.done $0x0  }
0x2f: {  	[sflag:s14] =	ssyncadd.s32 $0xFFFFFC00  }
0x30: {  	_ =	swait.ge [sflag:s15], $0x1000  }
0x31: {  	s22 =	sadd.s32 $0xFFFFFFFF, s22;
	[sflag:s15] =	ssyncset.done $0x0  }
.LBB2_1:
0x32: {  	p0 =	sne.s32 s22, $0x1;
	s22 =	sadd.s32 $0xFFFFFFFF, s22;
	[sflag:s15] =	ssyncadd.s32 $0xFFFFF000  }
0x33: {  	[tilespmem:s5], [sflag:$0x1] =	stream.linear.gather [hbm4b:s6+s5], $0x20, $0x38;
	[tilespmem:$0x1980] =	vst v63  }
0x34: {  	_ = 	snop  }
0x35: {  	[tilespmem:s8], [sflag:$0x2] =	stream.linear.gather [hbm4b:s7+s5], $0x8, $0x38;
	[tilespmem:$0x1980] =	vst v63  }
0x36: {  	_ = 	snop  }
0x37: {  	[tilespmem:s10], [sflag:$0x3] =	stream.linear.gather [hbm4b:s9+s5], $0x8, $0x38;
	[tilespmem:$0x1980] =	vst v63  }
0x38: {  	_ =	swait.ge [sflag:s11], $0x8  }
0x39: {  	[sflag:s11] =	ssyncset.done $0x0  }
0x3a: {  	[sflag:s11] =	ssyncadd.s32 $0xFFFFFFF8  }
0x3b: {  	[tilespmem:s13], [sflag:$0x2] =	stream.indirect.gather [hbm4b:s2+s12], $0x80, s8, s12, $0xb8;
	[tilespmem:$0x1980] =	vst v63  }
0x3c: {  	_ =	swait.ge [sflag:s14], $0x8  }
0x3d: {  	[sflag:s14] =	ssyncset.done $0x0  }
0x3e: {  	[sflag:s14] =	ssyncadd.s32 $0xFFFFFFF8  }
0x3f: {  	[tilespmem:s16], [sflag:$0x3] =	stream.indirect.gather [hbm4b:s4+s12], $0x80, s10, s12, $0xb8;
	[tilespmem:$0x1980] =	vst v63  }
0x40: {  	_ =	swait.ge [sflag:s15], $0x20  }
0x41: {  	[sflag:s15] =	ssyncset.done $0x0  }
0x42: {  	[sflag:s15] =	ssyncadd.s32 $0xFFFFFFE0  }
0x43: {  	[tilespmem:s18], [sflag:$0x1] =	stream.indirect.gather [hbm4b:s1+s17], $0x80, s5, s17, $0xb8;
	[tilespmem:$0x1980] =	vst v63  }
0x44: {  	_ =	swait.ge [sflag:s11], $0x400  }
0x45: {  	[sflag:s11] =	ssyncset.done $0x0  }
0x46: {  	[sflag:s11] =	ssyncadd.s32 $0xFFFFFC00  }
0x47: {  	[hbm4b:s19+s5] =	stream.linear.scatter [tilespmem:s13], [sflag:$0x2], $0x400, $0x38;
	[tilespmem:$0x1980] =	vst v63  }
0x48: {  	_ =	swait.ge [sflag:s14], $0x400  }
0x49: {  	[sflag:s14] =	ssyncset.done $0x0  }
0x4a: {  	[sflag:s14] =	ssyncadd.s32 $0xFFFFFC00  }
0x4b: {  	[hbm4b:s20+s5] =	stream.linear.scatter [tilespmem:s16], [sflag:$0x3], $0x400, $0x38;
	[tilespmem:$0x1980] =	vst v63  }
0x4c: {  	_ =	swait.ge [sflag:s15], $0x1000  }
0x4d: {  	[sflag:s15] =	ssyncset.done $0x0  }
0x4e: {  	[sflag:s15] =	ssyncadd.s32 $0xFFFFF000  }
0x4f: {  	[hbm4b:s21+s5] =	stream.linear.scatter [tilespmem:s18], [sflag:$0x1], $0x1000, $0x38;
	[tilespmem:$0x1980] =	vst v63  }
0x50: {  	_ =	swait.ge [sflag:s11], $0x400  }
0x51: {  	[sflag:s11] =	ssyncset.done $0x0  }
0x52: {  	[sflag:s11] =	ssyncadd.s32 $0xFFFFFC00  }
.Ltmp1:
0x53: {  	_ =	swait.ge [sflag:s14], $0x400;
	(pc) =	sbr.rel @p0 .LBB2_1-.Ltmp1, $4  }
0x54: {  	[sflag:s14] =	ssyncset.done $0x0  }
0x55: {  	[sflag:s14] =	ssyncadd.s32 $0xFFFFFC00  }
0x56: {  	_ =	swait.ge [sflag:s15], $0x1000  }
0x57: {  	[sflag:s15] =	ssyncset.done $0x0  }
.LBB2_2:
0x58: {  	[sflag:s15] =	ssyncadd.s32 $0xFFFFF000  }
0x59: {  	_ =	sfence.sel $0x180000  }
0x5a: {  	[bflag:$0x0] =	sbarrier.arrive $0xFFFF  }
0x5b: {  	p0 =	sne.s32 s0, $0x0;
	_ =	strace $0x90000047  }
0x5c: {  	s0 =	sadd.s32 @!p0 $0x100000, s3;
	[bflag:$0x2] =	sbarrier.arrive $0xFFFF  }
0x5d: {  	[sflag:s0] =	ssyncadd.tile.s32 @!p0 $0x1;
	_ =	shalt  }
.Lfunc_end2:
_tile_overlayer_lowered:
.L_overlay_start_2:
0x5e: {  	(tag) =	ssettag $0x2  }
0x5f: {  	s0 =	rddreg [dreg:$0x0];
	s2 =	stileid.u32  }
0x60: {  	s1 =	rddreg [dreg:$0x1];
	p0 =	sne.s32 s2, $0x0  }
0x61: {  	s3 =	rddreg [dreg:$0x2];
	[bflag:$0x3] =	sbarrier.arrive $0xFFFF;
	s2 =	simm.s32 @!p0 $0x1C04  }
0x62: {  	[timem:s3], [sflag:s2] =	dma.local @!p0 [hbm:s0], s1  }
0x63: {  	s0 =	simm.s32 @!p0 $0x4  }
0x64: {  	_ =	swait.ge @!p0 [sflag:s0], s1  }
0x65: {  	s1 =	ssub.s32 @!p0 $0x0, s1;
	[sflag:s0] =	ssyncset.done @!p0 $0x0  }
0x66: {  	[sflag:s0] =	ssyncadd.s32 @!p0 s1  }
0x67: {  	[bflag:$0x3] =	sbarrier.arrive $0xFFFF  }
0x68: {  	_ =	shalt  }

</sc_bundles>
